<compile_context>
chip_gen: v7x
topology: tpu7x:2x2x1
jax: 0.10.2.dev20260603
libtpu: 0.0.44.dev20260713+nightly
codegen_flags: <defaults>
</compile_context>

<pallas_src>
import functools

import jax
import jax.numpy as jnp
from jax import lax
from jax.experimental import pallas as pl
from jax.experimental.pallas import tpu as pltpu
from jax.experimental.pallas import tpu_sc as plsc

N_EMB = 8192
DIM = 32
N_TOK = 32 * 1024


TM = 256


def _argmin_body(z_ref, emb_ref, idx_ref):
    z_blk = z_ref[...]
    emb = emb_ref[...]
    d = lax.dot_general(z_blk.astype(jnp.bfloat16), emb.astype(jnp.bfloat16),
                        (((1,), (1,)), ((), ())),
                        preferred_element_type=jnp.float32)
    z2 = jnp.sum(z_blk * z_blk, axis=1, keepdims=True)
    e2 = jnp.sum(emb * emb, axis=1)[None, :]
    dist = (z2 - 2.0 * d) + e2
    m = jnp.min(dist, axis=1, keepdims=True)
    iota = lax.broadcasted_iota(jnp.int32, dist.shape, 1)
    idx_ref[...] = jnp.min(jnp.where(dist == m, iota, jnp.int32(N_EMB)),
                           axis=1)


def _argmin_call(z_flat, embedding, interpret=False):
    nb = N_TOK // TM
    return pl.pallas_call(
        _argmin_body,
        grid=(nb,),
        in_specs=[
            pl.BlockSpec((TM, DIM), lambda i: (i, 0)),
            pl.BlockSpec((N_EMB, DIM), lambda i: (0, 0)),
        ],
        out_specs=pl.BlockSpec((TM,), lambda i: (i,)),
        out_shape=jax.ShapeDtypeStruct((N_TOK,), jnp.int32),
        interpret=interpret,
    )(z_flat, embedding)



NW = 32
B_PER_W = N_TOK // NW
CHUNK = 128


@functools.cache
def _make_gather():
    @functools.partial(
        pl.kernel,
        out_type=jax.ShapeDtypeStruct((N_TOK, DIM), jnp.float32),
        mesh=plsc.VectorSubcoreMesh(core_axis_name="c", subcore_axis_name="s"),
        scratch_types=[
            pltpu.VMEM((CHUNK,), jnp.int32),
            pltpu.VMEM((B_PER_W, DIM), jnp.float32),
            pltpu.SemaphoreType.DMA,
        ],
        compiler_params=pltpu.CompilerParams(use_tc_tiling_on_sc=False),
    )
    def _gather_k(idx_hbm, table_hbm, out_hbm, idx_v, rows_v, sem):
        wid = lax.axis_index("s") * 2 + lax.axis_index("c")
        base = wid * B_PER_W
        for j in range(B_PER_W // CHUNK):
            pltpu.sync_copy(idx_hbm.at[pl.ds(base + j * CHUNK, CHUNK)], idx_v)
            pltpu.async_copy(table_hbm.at[idx_v],
                             rows_v.at[pl.ds(j * CHUNK, CHUNK)], sem).wait()
        pltpu.sync_copy(rows_v, out_hbm.at[pl.ds(base, B_PER_W)])

    return _gather_k



def kernel(z, embedding):
    z_flat = z.reshape(-1, DIM)
    idx_flat = _argmin_call(z_flat, embedding)
    zq = _make_gather()(idx_flat, embedding)
    return zq.reshape(z.shape), idx_flat.reshape(z.shape[0], -1)

# --- scband reference (transcript-rebuilt; emitter-appended) ---
"""Pipeline reference for scband-quantizer-80255758893332 (READ-ONLY COPY).

The authoritative reference and input builder live on the scoring server;
editing this copy changes nothing except your own understanding.
"""

import jax, jax.numpy as jnp
import numpy as np

NUM_EMBEDDINGS = 8192
LATENT_DIM = 32

def setup_inputs(seed: int = 0) -> dict:
    key = jax.random.key(seed)
    k1, k2 = jax.random.split(key)
    z = jax.random.normal(k1, (32, 1024, LATENT_DIM), dtype=jnp.float32)
    embedding = jax.random.normal(k2, (NUM_EMBEDDINGS, LATENT_DIM), dtype=jnp.float32)
    return {"z": z, "embedding": embedding}

def reference(z, embedding):
    batch = z.shape[0]
    embedding_dim = embedding.shape[1]
    z_flat = z.reshape(-1, embedding_dim)
    distances = (jnp.sum(z_flat ** 2, axis=1, keepdims=True)
                 - 2.0 * z_flat @ embedding.T
                 + jnp.sum(embedding ** 2, axis=1))
    indices = jnp.argmin(distances, axis=1)
    indices = indices.reshape(batch, -1)
    z_quantized = jnp.take(embedding, indices, axis=0).reshape(z.shape)
    return (z_quantized, indices)

if __name__ == "__main__":
    import jax
    _d = setup_inputs()
    print(jax.jit(kernel)(*tuple(_d.values())))

</pallas_src>

<mosaic_0001>
#map = affine_map<(d0, d1) -> (0)>
#map1 = affine_map<(d0, d1) -> (0, 0)>
module attributes {stable_mosaic.version = 14 : i64} {
  func.func @_gather_k(%arg0: i32, %arg1: i32, %arg2: memref<32768xi32, #tpu.memory_space<hbm>>, %arg3: memref<8192x32xf32, #tpu.memory_space<hbm>>, %arg4: memref<32768x32xf32, #tpu.memory_space<hbm>>, %arg5: memref<128xi32, #tpu.memory_space<vmem>>, %arg6: memref<1024x32xf32, #tpu.memory_space<vmem>>, %arg7: memref<!tpu.dma_semaphore, #tpu.memory_space<semaphore_mem>>) attributes {dimension_semantics = [#tpu.dimension_semantics<core_parallel>, #tpu.dimension_semantics<subcore_parallel>], iteration_bounds = array<i64: 2, 16>, scalar_prefetch = 0 : i64, scratch_operands = 3 : i64, tpu.core_type = #tpu.core_type<sc_vector_subcore>, window_params = [{transform_indices = #map}, {transform_indices = #map1}, {transform_indices = #map1}]} {
    %mul3A = arith.constant 2 : i32
    %mul3A_0 = arith.muli %arg1, %mul3A : i32
    %add3A = arith.addi %mul3A_0, %arg0 : i32
    %mul3A_1 = arith.constant 1024 : i32
    %mul3A_2 = arith.muli %add3A, %mul3A_1 : i32
    %add3A_3 = arith.constant 0 : i32
    %add3A_4 = arith.addi %mul3A_2, %add3A_3 : i32
    "tpu.region"() ({
      %run_scoped3A = tpu.sem_alloc : memref<!tpu.dma_semaphore, #tpu.memory_space<semaphore_mem>>
      %dma_start3A_113 = tpu.memref_slice %arg2[%add3A_4] : memref<32768xi32, #tpu.memory_space<hbm>> -> memref<128xi32, #tpu.memory_space<hbm>>
      %dma_start3A_114 = tpu.memref_slice %arg2[%add3A_4] : memref<32768xi32, #tpu.memory_space<hbm>> -> memref<128xi32, #tpu.memory_space<hbm>>
      tpu.enqueue_dma source(%dma_start3A_114 : memref<128xi32, #tpu.memory_space<hbm>>) target(%arg5 : memref<128xi32, #tpu.memory_space<vmem>>) target_semaphore(%run_scoped3A : memref<!tpu.dma_semaphore, #tpu.memory_space<semaphore_mem>>)
      %dma_wait3A_115 = tpu.memref_slice %arg2[%add3A_4] : memref<32768xi32, #tpu.memory_space<hbm>> -> memref<128xi32, #tpu.memory_space<hbm>>
      %dma_wait3A_116 = tpu.memref_slice %arg2[%add3A_4] : memref<32768xi32, #tpu.memory_space<hbm>> -> memref<128xi32, #tpu.memory_space<hbm>>
      tpu.wait_dma2 semaphore(%run_scoped3A : memref<!tpu.dma_semaphore, #tpu.memory_space<semaphore_mem>>) src(%dma_wait3A_116 : memref<128xi32, #tpu.memory_space<hbm>>) dst(%arg5 : memref<128xi32, #tpu.memory_space<vmem>>)
      tpu.yield
    }) : () -> ()
    %dma_start3A = arith.constant 0 : i32
    %dma_start3A_5 = arith.constant 0 : i32
    %dma_start3A_6 = tpu.memref_slice %arg6[%dma_start3A, %dma_start3A_5] : memref<1024x32xf32, #tpu.memory_space<vmem>> -> memref<128x32xf32, #tpu.memory_space<vmem>>
    %dma_start3A_7 = arith.constant 0 : i32
    %dma_start3A_8 = arith.constant 0 : i32
    %dma_start3A_9 = tpu.memref_slice %arg3[%dma_start3A_7, %dma_start3A_8] : memref<8192x32xf32, #tpu.memory_space<hbm>> -> memref<8192x32xf32, #tpu.memory_space<hbm>>
    tpu.enqueue_indirect_dma source(%dma_start3A_9 : memref<8192x32xf32, #tpu.memory_space<hbm>>) target(%dma_start3A_6 : memref<128x32xf32, #tpu.memory_space<vmem>>) offsets(%arg5 : memref<128xi32, #tpu.memory_space<vmem>>) semaphore(%arg7 : memref<!tpu.dma_semaphore, #tpu.memory_space<semaphore_mem>>)
    %dma_wait3A = arith.constant 0 : i32
    %dma_wait3A_10 = arith.constant 0 : i32
    %dma_wait3A_11 = tpu.memref_slice %arg6[%dma_wait3A, %dma_wait3A_10] : memref<1024x32xf32, #tpu.memory_space<vmem>> -> memref<128x32xf32, #tpu.memory_space<vmem>>
    %dma_wait3A_12 = arith.constant 0 : i32
    %dma_wait3A_13 = arith.constant 0 : i32
    %dma_wait3A_14 = tpu.memref_slice %arg3[%dma_wait3A_12, %dma_wait3A_13] : memref<8192x32xf32, #tpu.memory_space<hbm>> -> memref<8192x32xf32, #tpu.memory_space<hbm>>
    tpu.wait_indirect_dma semaphore(%arg7 : memref<!tpu.dma_semaphore, #tpu.memory_space<semaphore_mem>>) src(%dma_wait3A_14 : memref<8192x32xf32, #tpu.memory_space<hbm>>) dst(%dma_wait3A_11 : memref<128x32xf32, #tpu.memory_space<vmem>>)
    %add3A_15 = arith.constant 128 : i32
    %add3A_16 = arith.addi %mul3A_2, %add3A_15 : i32
    "tpu.region"() ({
      %run_scoped3A = tpu.sem_alloc : memref<!tpu.dma_semaphore, #tpu.memory_space<semaphore_mem>>
      %dma_start3A_113 = tpu.memref_slice %arg2[%add3A_16] : memref<32768xi32, #tpu.memory_space<hbm>> -> memref<128xi32, #tpu.memory_space<hbm>>
      %dma_start3A_114 = tpu.memref_slice %arg2[%add3A_16] : memref<32768xi32, #tpu.memory_space<hbm>> -> memref<128xi32, #tpu.memory_space<hbm>>
      tpu.enqueue_dma source(%dma_start3A_114 : memref<128xi32, #tpu.memory_space<hbm>>) target(%arg5 : memref<128xi32, #tpu.memory_space<vmem>>) target_semaphore(%run_scoped3A : memref<!tpu.dma_semaphore, #tpu.memory_space<semaphore_mem>>)
      %dma_wait3A_115 = tpu.memref_slice %arg2[%add3A_16] : memref<32768xi32, #tpu.memory_space<hbm>> -> memref<128xi32, #tpu.memory_space<hbm>>
      %dma_wait3A_116 = tpu.memref_slice %arg2[%add3A_16] : memref<32768xi32, #tpu.memory_space<hbm>> -> memref<128xi32, #tpu.memory_space<hbm>>
      tpu.wait_dma2 semaphore(%run_scoped3A : memref<!tpu.dma_semaphore, #tpu.memory_space<semaphore_mem>>) src(%dma_wait3A_116 : memref<128xi32, #tpu.memory_space<hbm>>) dst(%arg5 : memref<128xi32, #tpu.memory_space<vmem>>)
      tpu.yield
    }) : () -> ()
    %dma_start3A_17 = arith.constant 128 : i32
    %dma_start3A_18 = arith.constant 0 : i32
    %dma_start3A_19 = tpu.memref_slice %arg6[%dma_start3A_17, %dma_start3A_18] : memref<1024x32xf32, #tpu.memory_space<vmem>> -> memref<128x32xf32, #tpu.memory_space<vmem>>
    %dma_start3A_20 = arith.constant 0 : i32
    %dma_start3A_21 = arith.constant 0 : i32
    %dma_start3A_22 = tpu.memref_slice %arg3[%dma_start3A_20, %dma_start3A_21] : memref<8192x32xf32, #tpu.memory_space<hbm>> -> memref<8192x32xf32, #tpu.memory_space<hbm>>
    tpu.enqueue_indirect_dma source(%dma_start3A_22 : memref<8192x32xf32, #tpu.memory_space<hbm>>) target(%dma_start3A_19 : memref<128x32xf32, #tpu.memory_space<vmem>>) offsets(%arg5 : memref<128xi32, #tpu.memory_space<vmem>>) semaphore(%arg7 : memref<!tpu.dma_semaphore, #tpu.memory_space<semaphore_mem>>)
    %dma_wait3A_23 = arith.constant 128 : i32
    %dma_wait3A_24 = arith.constant 0 : i32
    %dma_wait3A_25 = tpu.memref_slice %arg6[%dma_wait3A_23, %dma_wait3A_24] : memref<1024x32xf32, #tpu.memory_space<vmem>> -> memref<128x32xf32, #tpu.memory_space<vmem>>
    %dma_wait3A_26 = arith.constant 0 : i32
    %dma_wait3A_27 = arith.constant 0 : i32
    %dma_wait3A_28 = tpu.memref_slice %arg3[%dma_wait3A_26, %dma_wait3A_27] : memref<8192x32xf32, #tpu.memory_space<hbm>> -> memref<8192x32xf32, #tpu.memory_space<hbm>>
    tpu.wait_indirect_dma semaphore(%arg7 : memref<!tpu.dma_semaphore, #tpu.memory_space<semaphore_mem>>) src(%dma_wait3A_28 : memref<8192x32xf32, #tpu.memory_space<hbm>>) dst(%dma_wait3A_25 : memref<128x32xf32, #tpu.memory_space<vmem>>)
    %add3A_29 = arith.constant 256 : i32
    %add3A_30 = arith.addi %mul3A_2, %add3A_29 : i32
    "tpu.region"() ({
      %run_scoped3A = tpu.sem_alloc : memref<!tpu.dma_semaphore, #tpu.memory_space<semaphore_mem>>
      %dma_start3A_113 = tpu.memref_slice %arg2[%add3A_30] : memref<32768xi32, #tpu.memory_space<hbm>> -> memref<128xi32, #tpu.memory_space<hbm>>
      %dma_start3A_114 = tpu.memref_slice %arg2[%add3A_30] : memref<32768xi32, #tpu.memory_space<hbm>> -> memref<128xi32, #tpu.memory_space<hbm>>
      tpu.enqueue_dma source(%dma_start3A_114 : memref<128xi32, #tpu.memory_space<hbm>>) target(%arg5 : memref<128xi32, #tpu.memory_space<vmem>>) target_semaphore(%run_scoped3A : memref<!tpu.dma_semaphore, #tpu.memory_space<semaphore_mem>>)
      %dma_wait3A_115 = tpu.memref_slice %arg2[%add3A_30] : memref<32768xi32, #tpu.memory_space<hbm>> -> memref<128xi32, #tpu.memory_space<hbm>>
      %dma_wait3A_116 = tpu.memref_slice %arg2[%add3A_30] : memref<32768xi32, #tpu.memory_space<hbm>> -> memref<128xi32, #tpu.memory_space<hbm>>
      tpu.wait_dma2 semaphore(%run_scoped3A : memref<!tpu.dma_semaphore, #tpu.memory_space<semaphore_mem>>) src(%dma_wait3A_116 : memref<128xi32, #tpu.memory_space<hbm>>) dst(%arg5 : memref<128xi32, #tpu.memory_space<vmem>>)
      tpu.yield
    }) : () -> ()
    %dma_start3A_31 = arith.constant 256 : i32
    %dma_start3A_32 = arith.constant 0 : i32
    %dma_start3A_33 = tpu.memref_slice %arg6[%dma_start3A_31, %dma_start3A_32] : memref<1024x32xf32, #tpu.memory_space<vmem>> -> memref<128x32xf32, #tpu.memory_space<vmem>>
    %dma_start3A_34 = arith.constant 0 : i32
    %dma_start3A_35 = arith.constant 0 : i32
    %dma_start3A_36 = tpu.memref_slice %arg3[%dma_start3A_34, %dma_start3A_35] : memref<8192x32xf32, #tpu.memory_space<hbm>> -> memref<8192x32xf32, #tpu.memory_space<hbm>>
    tpu.enqueue_indirect_dma source(%dma_start3A_36 : memref<8192x32xf32, #tpu.memory_space<hbm>>) target(%dma_start3A_33 : memref<128x32xf32, #tpu.memory_space<vmem>>) offsets(%arg5 : memref<128xi32, #tpu.memory_space<vmem>>) semaphore(%arg7 : memref<!tpu.dma_semaphore, #tpu.memory_space<semaphore_mem>>)
    %dma_wait3A_37 = arith.constant 256 : i32
    %dma_wait3A_38 = arith.constant 0 : i32
    %dma_wait3A_39 = tpu.memref_slice %arg6[%dma_wait3A_37, %dma_wait3A_38] : memref<1024x32xf32, #tpu.memory_space<vmem>> -> memref<128x32xf32, #tpu.memory_space<vmem>>
    %dma_wait3A_40 = arith.constant 0 : i32
    %dma_wait3A_41 = arith.constant 0 : i32
    %dma_wait3A_42 = tpu.memref_slice %arg3[%dma_wait3A_40, %dma_wait3A_41] : memref<8192x32xf32, #tpu.memory_space<hbm>> -> memref<8192x32xf32, #tpu.memory_space<hbm>>
    tpu.wait_indirect_dma semaphore(%arg7 : memref<!tpu.dma_semaphore, #tpu.memory_space<semaphore_mem>>) src(%dma_wait3A_42 : memref<8192x32xf32, #tpu.memory_space<hbm>>) dst(%dma_wait3A_39 : memref<128x32xf32, #tpu.memory_space<vmem>>)
    %add3A_43 = arith.constant 384 : i32
    %add3A_44 = arith.addi %mul3A_2, %add3A_43 : i32
    "tpu.region"() ({
      %run_scoped3A = tpu.sem_alloc : memref<!tpu.dma_semaphore, #tpu.memory_space<semaphore_mem>>
      %dma_start3A_113 = tpu.memref_slice %arg2[%add3A_44] : memref<32768xi32, #tpu.memory_space<hbm>> -> memref<128xi32, #tpu.memory_space<hbm>>
      %dma_start3A_114 = tpu.memref_slice %arg2[%add3A_44] : memref<32768xi32, #tpu.memory_space<hbm>> -> memref<128xi32, #tpu.memory_space<hbm>>
      tpu.enqueue_dma source(%dma_start3A_114 : memref<128xi32, #tpu.memory_space<hbm>>) target(%arg5 : memref<128xi32, #tpu.memory_space<vmem>>) target_semaphore(%run_scoped3A : memref<!tpu.dma_semaphore, #tpu.memory_space<semaphore_mem>>)
      %dma_wait3A_115 = tpu.memref_slice %arg2[%add3A_44] : memref<32768xi32, #tpu.memory_space<hbm>> -> memref<128xi32, #tpu.memory_space<hbm>>
      %dma_wait3A_116 = tpu.memref_slice %arg2[%add3A_44] : memref<32768xi32, #tpu.memory_space<hbm>> -> memref<128xi32, #tpu.memory_space<hbm>>
      tpu.wait_dma2 semaphore(%run_scoped3A : memref<!tpu.dma_semaphore, #tpu.memory_space<semaphore_mem>>) src(%dma_wait3A_116 : memref<128xi32, #tpu.memory_space<hbm>>) dst(%arg5 : memref<128xi32, #tpu.memory_space<vmem>>)
      tpu.yield
    }) : () -> ()
    %dma_start3A_45 = arith.constant 384 : i32
    %dma_start3A_46 = arith.constant 0 : i32
    %dma_start3A_47 = tpu.memref_slice %arg6[%dma_start3A_45, %dma_start3A_46] : memref<1024x32xf32, #tpu.memory_space<vmem>> -> memref<128x32xf32, #tpu.memory_space<vmem>>
    %dma_start3A_48 = arith.constant 0 : i32
    %dma_start3A_49 = arith.constant 0 : i32
    %dma_start3A_50 = tpu.memref_slice %arg3[%dma_start3A_48, %dma_start3A_49] : memref<8192x32xf32, #tpu.memory_space<hbm>> -> memref<8192x32xf32, #tpu.memory_space<hbm>>
    tpu.enqueue_indirect_dma source(%dma_start3A_50 : memref<8192x32xf32, #tpu.memory_space<hbm>>) target(%dma_start3A_47 : memref<128x32xf32, #tpu.memory_space<vmem>>) offsets(%arg5 : memref<128xi32, #tpu.memory_space<vmem>>) semaphore(%arg7 : memref<!tpu.dma_semaphore, #tpu.memory_space<semaphore_mem>>)
    %dma_wait3A_51 = arith.constant 384 : i32
    %dma_wait3A_52 = arith.constant 0 : i32
    %dma_wait3A_53 = tpu.memref_slice %arg6[%dma_wait3A_51, %dma_wait3A_52] : memref<1024x32xf32, #tpu.memory_space<vmem>> -> memref<128x32xf32, #tpu.memory_space<vmem>>
    %dma_wait3A_54 = arith.constant 0 : i32
    %dma_wait3A_55 = arith.constant 0 : i32
    %dma_wait3A_56 = tpu.memref_slice %arg3[%dma_wait3A_54, %dma_wait3A_55] : memref<8192x32xf32, #tpu.memory_space<hbm>> -> memref<8192x32xf32, #tpu.memory_space<hbm>>
    tpu.wait_indirect_dma semaphore(%arg7 : memref<!tpu.dma_semaphore, #tpu.memory_space<semaphore_mem>>) src(%dma_wait3A_56 : memref<8192x32xf32, #tpu.memory_space<hbm>>) dst(%dma_wait3A_53 : memref<128x32xf32, #tpu.memory_space<vmem>>)
    %add3A_57 = arith.constant 512 : i32
    %add3A_58 = arith.addi %mul3A_2, %add3A_57 : i32
    "tpu.region"() ({
      %run_scoped3A = tpu.sem_alloc : memref<!tpu.dma_semaphore, #tpu.memory_space<semaphore_mem>>
      %dma_start3A_113 = tpu.memref_slice %arg2[%add3A_58] : memref<32768xi32, #tpu.memory_space<hbm>> -> memref<128xi32, #tpu.memory_space<hbm>>
      %dma_start3A_114 = tpu.memref_slice %arg2[%add3A_58] : memref<32768xi32, #tpu.memory_space<hbm>> -> memref<128xi32, #tpu.memory_space<hbm>>
      tpu.enqueue_dma source(%dma_start3A_114 : memref<128xi32, #tpu.memory_space<hbm>>) target(%arg5 : memref<128xi32, #tpu.memory_space<vmem>>) target_semaphore(%run_scoped3A : memref<!tpu.dma_semaphore, #tpu.memory_space<semaphore_mem>>)
      %dma_wait3A_115 = tpu.memref_slice %arg2[%add3A_58] : memref<32768xi32, #tpu.memory_space<hbm>> -> memref<128xi32, #tpu.memory_space<hbm>>
      %dma_wait3A_116 = tpu.memref_slice %arg2[%add3A_58] : memref<32768xi32, #tpu.memory_space<hbm>> -> memref<128xi32, #tpu.memory_space<hbm>>
      tpu.wait_dma2 semaphore(%run_scoped3A : memref<!tpu.dma_semaphore, #tpu.memory_space<semaphore_mem>>) src(%dma_wait3A_116 : memref<128xi32, #tpu.memory_space<hbm>>) dst(%arg5 : memref<128xi32, #tpu.memory_space<vmem>>)
      tpu.yield
    }) : () -> ()
    %dma_start3A_59 = arith.constant 512 : i32
    %dma_start3A_60 = arith.constant 0 : i32
    %dma_start3A_61 = tpu.memref_slice %arg6[%dma_start3A_59, %dma_start3A_60] : memref<1024x32xf32, #tpu.memory_space<vmem>> -> memref<128x32xf32, #tpu.memory_space<vmem>>
    %dma_start3A_62 = arith.constant 0 : i32
    %dma_start3A_63 = arith.constant 0 : i32
    %dma_start3A_64 = tpu.memref_slice %arg3[%dma_start3A_62, %dma_start3A_63] : memref<8192x32xf32, #tpu.memory_space<hbm>> -> memref<8192x32xf32, #tpu.memory_space<hbm>>
    tpu.enqueue_indirect_dma source(%dma_start3A_64 : memref<8192x32xf32, #tpu.memory_space<hbm>>) target(%dma_start3A_61 : memref<128x32xf32, #tpu.memory_space<vmem>>) offsets(%arg5 : memref<128xi32, #tpu.memory_space<vmem>>) semaphore(%arg7 : memref<!tpu.dma_semaphore, #tpu.memory_space<semaphore_mem>>)
    %dma_wait3A_65 = arith.constant 512 : i32
    %dma_wait3A_66 = arith.constant 0 : i32
    %dma_wait3A_67 = tpu.memref_slice %arg6[%dma_wait3A_65, %dma_wait3A_66] : memref<1024x32xf32, #tpu.memory_space<vmem>> -> memref<128x32xf32, #tpu.memory_space<vmem>>
    %dma_wait3A_68 = arith.constant 0 : i32
    %dma_wait3A_69 = arith.constant 0 : i32
    %dma_wait3A_70 = tpu.memref_slice %arg3[%dma_wait3A_68, %dma_wait3A_69] : memref<8192x32xf32, #tpu.memory_space<hbm>> -> memref<8192x32xf32, #tpu.memory_space<hbm>>
    tpu.wait_indirect_dma semaphore(%arg7 : memref<!tpu.dma_semaphore, #tpu.memory_space<semaphore_mem>>) src(%dma_wait3A_70 : memref<8192x32xf32, #tpu.memory_space<hbm>>) dst(%dma_wait3A_67 : memref<128x32xf32, #tpu.memory_space<vmem>>)
    %add3A_71 = arith.constant 640 : i32
    %add3A_72 = arith.addi %mul3A_2, %add3A_71 : i32
    "tpu.region"() ({
      %run_scoped3A = tpu.sem_alloc : memref<!tpu.dma_semaphore, #tpu.memory_space<semaphore_mem>>
      %dma_start3A_113 = tpu.memref_slice %arg2[%add3A_72] : memref<32768xi32, #tpu.memory_space<hbm>> -> memref<128xi32, #tpu.memory_space<hbm>>
      %dma_start3A_114 = tpu.memref_slice %arg2[%add3A_72] : memref<32768xi32, #tpu.memory_space<hbm>> -> memref<128xi32, #tpu.memory_space<hbm>>
      tpu.enqueue_dma source(%dma_start3A_114 : memref<128xi32, #tpu.memory_space<hbm>>) target(%arg5 : memref<128xi32, #tpu.memory_space<vmem>>) target_semaphore(%run_scoped3A : memref<!tpu.dma_semaphore, #tpu.memory_space<semaphore_mem>>)
      %dma_wait3A_115 = tpu.memref_slice %arg2[%add3A_72] : memref<32768xi32, #tpu.memory_space<hbm>> -> memref<128xi32, #tpu.memory_space<hbm>>
      %dma_wait3A_116 = tpu.memref_slice %arg2[%add3A_72] : memref<32768xi32, #tpu.memory_space<hbm>> -> memref<128xi32, #tpu.memory_space<hbm>>
      tpu.wait_dma2 semaphore(%run_scoped3A : memref<!tpu.dma_semaphore, #tpu.memory_space<semaphore_mem>>) src(%dma_wait3A_116 : memref<128xi32, #tpu.memory_space<hbm>>) dst(%arg5 : memref<128xi32, #tpu.memory_space<vmem>>)
      tpu.yield
    }) : () -> ()
    %dma_start3A_73 = arith.constant 640 : i32
    %dma_start3A_74 = arith.constant 0 : i32
    %dma_start3A_75 = tpu.memref_slice %arg6[%dma_start3A_73, %dma_start3A_74] : memref<1024x32xf32, #tpu.memory_space<vmem>> -> memref<128x32xf32, #tpu.memory_space<vmem>>
    %dma_start3A_76 = arith.constant 0 : i32
    %dma_start3A_77 = arith.constant 0 : i32
    %dma_start3A_78 = tpu.memref_slice %arg3[%dma_start3A_76, %dma_start3A_77] : memref<8192x32xf32, #tpu.memory_space<hbm>> -> memref<8192x32xf32, #tpu.memory_space<hbm>>
    tpu.enqueue_indirect_dma source(%dma_start3A_78 : memref<8192x32xf32, #tpu.memory_space<hbm>>) target(%dma_start3A_75 : memref<128x32xf32, #tpu.memory_space<vmem>>) offsets(%arg5 : memref<128xi32, #tpu.memory_space<vmem>>) semaphore(%arg7 : memref<!tpu.dma_semaphore, #tpu.memory_space<semaphore_mem>>)
    %dma_wait3A_79 = arith.constant 640 : i32
    %dma_wait3A_80 = arith.constant 0 : i32
    %dma_wait3A_81 = tpu.memref_slice %arg6[%dma_wait3A_79, %dma_wait3A_80] : memref<1024x32xf32, #tpu.memory_space<vmem>> -> memref<128x32xf32, #tpu.memory_space<vmem>>
    %dma_wait3A_82 = arith.constant 0 : i32
    %dma_wait3A_83 = arith.constant 0 : i32
    %dma_wait3A_84 = tpu.memref_slice %arg3[%dma_wait3A_82, %dma_wait3A_83] : memref<8192x32xf32, #tpu.memory_space<hbm>> -> memref<8192x32xf32, #tpu.memory_space<hbm>>
    tpu.wait_indirect_dma semaphore(%arg7 : memref<!tpu.dma_semaphore, #tpu.memory_space<semaphore_mem>>) src(%dma_wait3A_84 : memref<8192x32xf32, #tpu.memory_space<hbm>>) dst(%dma_wait3A_81 : memref<128x32xf32, #tpu.memory_space<vmem>>)
    %add3A_85 = arith.constant 768 : i32
    %add3A_86 = arith.addi %mul3A_2, %add3A_85 : i32
    "tpu.region"() ({
      %run_scoped3A = tpu.sem_alloc : memref<!tpu.dma_semaphore, #tpu.memory_space<semaphore_mem>>
      %dma_start3A_113 = tpu.memref_slice %arg2[%add3A_86] : memref<32768xi32, #tpu.memory_space<hbm>> -> memref<128xi32, #tpu.memory_space<hbm>>
      %dma_start3A_114 = tpu.memref_slice %arg2[%add3A_86] : memref<32768xi32, #tpu.memory_space<hbm>> -> memref<128xi32, #tpu.memory_space<hbm>>
      tpu.enqueue_dma source(%dma_start3A_114 : memref<128xi32, #tpu.memory_space<hbm>>) target(%arg5 : memref<128xi32, #tpu.memory_space<vmem>>) target_semaphore(%run_scoped3A : memref<!tpu.dma_semaphore, #tpu.memory_space<semaphore_mem>>)
      %dma_wait3A_115 = tpu.memref_slice %arg2[%add3A_86] : memref<32768xi32, #tpu.memory_space<hbm>> -> memref<128xi32, #tpu.memory_space<hbm>>
      %dma_wait3A_116 = tpu.memref_slice %arg2[%add3A_86] : memref<32768xi32, #tpu.memory_space<hbm>> -> memref<128xi32, #tpu.memory_space<hbm>>
      tpu.wait_dma2 semaphore(%run_scoped3A : memref<!tpu.dma_semaphore, #tpu.memory_space<semaphore_mem>>) src(%dma_wait3A_116 : memref<128xi32, #tpu.memory_space<hbm>>) dst(%arg5 : memref<128xi32, #tpu.memory_space<vmem>>)
      tpu.yield
    }) : () -> ()
    %dma_start3A_87 = arith.constant 768 : i32
    %dma_start3A_88 = arith.constant 0 : i32
    %dma_start3A_89 = tpu.memref_slice %arg6[%dma_start3A_87, %dma_start3A_88] : memref<1024x32xf32, #tpu.memory_space<vmem>> -> memref<128x32xf32, #tpu.memory_space<vmem>>
    %dma_start3A_90 = arith.constant 0 : i32
    %dma_start3A_91 = arith.constant 0 : i32
    %dma_start3A_92 = tpu.memref_slice %arg3[%dma_start3A_90, %dma_start3A_91] : memref<8192x32xf32, #tpu.memory_space<hbm>> -> memref<8192x32xf32, #tpu.memory_space<hbm>>
    tpu.enqueue_indirect_dma source(%dma_start3A_92 : memref<8192x32xf32, #tpu.memory_space<hbm>>) target(%dma_start3A_89 : memref<128x32xf32, #tpu.memory_space<vmem>>) offsets(%arg5 : memref<128xi32, #tpu.memory_space<vmem>>) semaphore(%arg7 : memref<!tpu.dma_semaphore, #tpu.memory_space<semaphore_mem>>)
    %dma_wait3A_93 = arith.constant 768 : i32
    %dma_wait3A_94 = arith.constant 0 : i32
    %dma_wait3A_95 = tpu.memref_slice %arg6[%dma_wait3A_93, %dma_wait3A_94] : memref<1024x32xf32, #tpu.memory_space<vmem>> -> memref<128x32xf32, #tpu.memory_space<vmem>>
    %dma_wait3A_96 = arith.constant 0 : i32
    %dma_wait3A_97 = arith.constant 0 : i32
    %dma_wait3A_98 = tpu.memref_slice %arg3[%dma_wait3A_96, %dma_wait3A_97] : memref<8192x32xf32, #tpu.memory_space<hbm>> -> memref<8192x32xf32, #tpu.memory_space<hbm>>
    tpu.wait_indirect_dma semaphore(%arg7 : memref<!tpu.dma_semaphore, #tpu.memory_space<semaphore_mem>>) src(%dma_wait3A_98 : memref<8192x32xf32, #tpu.memory_space<hbm>>) dst(%dma_wait3A_95 : memref<128x32xf32, #tpu.memory_space<vmem>>)
    %add3A_99 = arith.constant 896 : i32
    %add3A_100 = arith.addi %mul3A_2, %add3A_99 : i32
    "tpu.region"() ({
      %run_scoped3A = tpu.sem_alloc : memref<!tpu.dma_semaphore, #tpu.memory_space<semaphore_mem>>
      %dma_start3A_113 = tpu.memref_slice %arg2[%add3A_100] : memref<32768xi32, #tpu.memory_space<hbm>> -> memref<128xi32, #tpu.memory_space<hbm>>
      %dma_start3A_114 = tpu.memref_slice %arg2[%add3A_100] : memref<32768xi32, #tpu.memory_space<hbm>> -> memref<128xi32, #tpu.memory_space<hbm>>
      tpu.enqueue_dma source(%dma_start3A_114 : memref<128xi32, #tpu.memory_space<hbm>>) target(%arg5 : memref<128xi32, #tpu.memory_space<vmem>>) target_semaphore(%run_scoped3A : memref<!tpu.dma_semaphore, #tpu.memory_space<semaphore_mem>>)
      %dma_wait3A_115 = tpu.memref_slice %arg2[%add3A_100] : memref<32768xi32, #tpu.memory_space<hbm>> -> memref<128xi32, #tpu.memory_space<hbm>>
      %dma_wait3A_116 = tpu.memref_slice %arg2[%add3A_100] : memref<32768xi32, #tpu.memory_space<hbm>> -> memref<128xi32, #tpu.memory_space<hbm>>
      tpu.wait_dma2 semaphore(%run_scoped3A : memref<!tpu.dma_semaphore, #tpu.memory_space<semaphore_mem>>) src(%dma_wait3A_116 : memref<128xi32, #tpu.memory_space<hbm>>) dst(%arg5 : memref<128xi32, #tpu.memory_space<vmem>>)
      tpu.yield
    }) : () -> ()
    %dma_start3A_101 = arith.constant 896 : i32
    %dma_start3A_102 = arith.constant 0 : i32
    %dma_start3A_103 = tpu.memref_slice %arg6[%dma_start3A_101, %dma_start3A_102] : memref<1024x32xf32, #tpu.memory_space<vmem>> -> memref<128x32xf32, #tpu.memory_space<vmem>>
    %dma_start3A_104 = arith.constant 0 : i32
    %dma_start3A_105 = arith.constant 0 : i32
    %dma_start3A_106 = tpu.memref_slice %arg3[%dma_start3A_104, %dma_start3A_105] : memref<8192x32xf32, #tpu.memory_space<hbm>> -> memref<8192x32xf32, #tpu.memory_space<hbm>>
    tpu.enqueue_indirect_dma source(%dma_start3A_106 : memref<8192x32xf32, #tpu.memory_space<hbm>>) target(%dma_start3A_103 : memref<128x32xf32, #tpu.memory_space<vmem>>) offsets(%arg5 : memref<128xi32, #tpu.memory_space<vmem>>) semaphore(%arg7 : memref<!tpu.dma_semaphore, #tpu.memory_space<semaphore_mem>>)
    %dma_wait3A_107 = arith.constant 896 : i32
    %dma_wait3A_108 = arith.constant 0 : i32
    %dma_wait3A_109 = tpu.memref_slice %arg6[%dma_wait3A_107, %dma_wait3A_108] : memref<1024x32xf32, #tpu.memory_space<vmem>> -> memref<128x32xf32, #tpu.memory_space<vmem>>
    %dma_wait3A_110 = arith.constant 0 : i32
    %dma_wait3A_111 = arith.constant 0 : i32
    %dma_wait3A_112 = tpu.memref_slice %arg3[%dma_wait3A_110, %dma_wait3A_111] : memref<8192x32xf32, #tpu.memory_space<hbm>> -> memref<8192x32xf32, #tpu.memory_space<hbm>>
    tpu.wait_indirect_dma semaphore(%arg7 : memref<!tpu.dma_semaphore, #tpu.memory_space<semaphore_mem>>) src(%dma_wait3A_112 : memref<8192x32xf32, #tpu.memory_space<hbm>>) dst(%dma_wait3A_109 : memref<128x32xf32, #tpu.memory_space<vmem>>)
    "tpu.region"() ({
      %run_scoped3A = tpu.sem_alloc : memref<!tpu.dma_semaphore, #tpu.memory_space<semaphore_mem>>
      %dma_start3A_113 = arith.constant 0 : i32
      %dma_start3A_114 = tpu.memref_slice %arg4[%mul3A_2, %dma_start3A_113] : memref<32768x32xf32, #tpu.memory_space<hbm>> -> memref<1024x32xf32, #tpu.memory_space<hbm>>
      %dma_start3A_115 = arith.constant 0 : i32
      %dma_start3A_116 = tpu.memref_slice %arg4[%mul3A_2, %dma_start3A_115] : memref<32768x32xf32, #tpu.memory_space<hbm>> -> memref<1024x32xf32, #tpu.memory_space<hbm>>
      tpu.enqueue_dma source(%arg6 : memref<1024x32xf32, #tpu.memory_space<vmem>>) target(%dma_start3A_116 : memref<1024x32xf32, #tpu.memory_space<hbm>>) target_semaphore(%run_scoped3A : memref<!tpu.dma_semaphore, #tpu.memory_space<semaphore_mem>>)
      %dma_wait3A_117 = arith.constant 0 : i32
      %dma_wait3A_118 = tpu.memref_slice %arg4[%mul3A_2, %dma_wait3A_117] : memref<32768x32xf32, #tpu.memory_space<hbm>> -> memref<1024x32xf32, #tpu.memory_space<hbm>>
      %dma_wait3A_119 = arith.constant 0 : i32
      %dma_wait3A_120 = tpu.memref_slice %arg4[%mul3A_2, %dma_wait3A_119] : memref<32768x32xf32, #tpu.memory_space<hbm>> -> memref<1024x32xf32, #tpu.memory_space<hbm>>
      tpu.wait_dma2 semaphore(%run_scoped3A : memref<!tpu.dma_semaphore, #tpu.memory_space<semaphore_mem>>) src(%arg6 : memref<1024x32xf32, #tpu.memory_space<vmem>>) dst(%dma_wait3A_120 : memref<1024x32xf32, #tpu.memory_space<hbm>>)
      tpu.yield
    }) : () -> ()
    return
  }
}

module attributes {stable_mosaic.version = 14 : i64} {
  func.func @_argmin_body(%arg0: i32, %arg1: memref<256x32xf32, #tpu.memory_space<vmem>>, %arg2: memref<8192x32xf32, #tpu.memory_space<vmem>>, %arg3: memref<256xi32, #tpu.memory_space<vmem>>) attributes {dimension_semantics = [#tpu.dimension_semantics<arbitrary>], iteration_bounds = array<i64: 128>, scalar_prefetch = 0 : i64, scratch_operands = 0 : i64, tpu.core_type = #tpu.core_type<tc>, window_params = [{transform_indices = @transform_0, window_bounds = array<i64: 256, 32>}, {pipeline_mode = #tpu.pipeline_mode<synchronous>, transform_indices = @transform_1, window_bounds = array<i64: 8192, 32>}, {transform_indices = @transform_2, window_bounds = array<i64: 256>}]} {
    %get3A = arith.constant 0 : index
    %get3A_0 = arith.constant 0 : index
    %get3A_1 = vector.load %arg1[%get3A, %get3A_0] : memref<256x32xf32, #tpu.memory_space<vmem>>, vector<256x32xf32>
    %get3A_2 = arith.constant 0 : index
    %get3A_3 = arith.constant 0 : index
    %get3A_4 = vector.load %arg2[%get3A_2, %get3A_3] : memref<8192x32xf32, #tpu.memory_space<vmem>>, vector<8192x32xf32>
    %convert_element_type3A = arith.truncf %get3A_1 : vector<256x32xf32> to vector<256x32xbf16>
    %convert_element_type3A_5 = arith.truncf %get3A_4 : vector<8192x32xf32> to vector<8192x32xbf16>
    %dot_general3A = arith.constant dense<0.000000e+00> : vector<256x8192xf32>
    %dot_general3A_6 = tpu.matmul %convert_element_type3A, %convert_element_type3A_5, %dot_general3A {dimension_numbers = #tpu.dot_dimension_numbers<[1], [1], [0], [0], [0, 0, 1, 0], [], []>, transpose_lhs_hint = false} : vector<256x32xbf16>, vector<8192x32xbf16>, vector<256x8192xf32> -> vector<256x8192xf32>
    %mul3A = arith.mulf %get3A_1, %get3A_1 : vector<256x32xf32>
    %reduce_sum3A = arith.constant dense<0.000000e+00> : vector<256xf32>
    %reduce_sum3A_7 = vector.multi_reduction <add>, %mul3A, %reduce_sum3A [1] : vector<256x32xf32> to vector<256xf32>
    %broadcast_in_dim3A = vector.shape_cast %reduce_sum3A_7 : vector<256xf32> to vector<256x1xf32>
    %mul3A_8 = arith.mulf %get3A_4, %get3A_4 : vector<8192x32xf32>
    %reduce_sum3A_9 = arith.constant dense<0.000000e+00> : vector<8192xf32>
    %reduce_sum3A_10 = vector.multi_reduction <add>, %mul3A_8, %reduce_sum3A_9 [1] : vector<8192x32xf32> to vector<8192xf32>
    %broadcast_in_dim3A_11 = vector.shape_cast %reduce_sum3A_10 : vector<8192xf32> to vector<1x8192xf32>
    %mul3A_12 = arith.constant 2.000000e+00 : f32
    %mul3A_13 = vector.broadcast %mul3A_12 : f32 to vector<256x8192xf32>
    %mul3A_14 = arith.mulf %mul3A_13, %dot_general3A_6 : vector<256x8192xf32>
    %sub3A = vector.broadcast %broadcast_in_dim3A : vector<256x1xf32> to vector<256x8192xf32>
    %sub3A_15 = arith.subf %sub3A, %mul3A_14 : vector<256x8192xf32>
    %add3A = vector.broadcast %broadcast_in_dim3A_11 : vector<1x8192xf32> to vector<256x8192xf32>
    %add3A_16 = arith.addf %sub3A_15, %add3A : vector<256x8192xf32>
    %reduce_min3A = arith.constant dense<0x7F800000> : vector<256xf32>
    %reduce_min3A_17 = vector.multi_reduction <minimumf>, %add3A_16, %reduce_min3A [1] : vector<256x8192xf32> to vector<256xf32>
    %broadcast_in_dim3A_18 = vector.shape_cast %reduce_min3A_17 : vector<256xf32> to vector<256x1xf32>
    %iota3A = tpu.iota {dimensions = array<i32: 1>} : vector<256x8192xi32>
    %eq3A = vector.broadcast %broadcast_in_dim3A_18 : vector<256x1xf32> to vector<256x8192xf32>
    %eq3A_19 = arith.cmpf oeq, %add3A_16, %eq3A : vector<256x8192xf32>
    %jit3A = arith.constant 8192 : i32
    %broadcast_in_dim3A_20 = vector.broadcast %jit3A : i32 to vector<256x8192xi32>
    %select_n3A = arith.select %eq3A_19, %iota3A, %broadcast_in_dim3A_20 : vector<256x8192xi1>, vector<256x8192xi32>
    %reduce_min3A_21 = arith.constant dense<2147483647> : vector<256xi32>
    %reduce_min3A_22 = vector.multi_reduction <minsi>, %select_n3A, %reduce_min3A_21 [1] : vector<256x8192xi32> to vector<256xi32>
    %swap3A = arith.constant 0 : index
    %swap3A_23 = vector.load %arg3[%swap3A] : memref<256xi32, #tpu.memory_space<vmem>>, vector<256xi32>
    tpu.vector_store %arg3[%swap3A], %reduce_min3A_22 {strides = array<i32>} : memref<256xi32, #tpu.memory_space<vmem>>, vector<256xi32>,
    return
  }
  func.func @transform_0(%arg0: i32) -> (i32, i32) {
    %c0_i32 = arith.constant 0 : i32
    %c0_i32_0 = arith.constant 0 : i32
    return %arg0, %c0_i32 : i32, i32
  }
  func.func @transform_1(%arg0: i32) -> (i32, i32) {
    %c0_i32 = arith.constant 0 : i32
    %c0_i32_0 = arith.constant 0 : i32
    %c0_i32_1 = arith.constant 0 : i32
    return %c0_i32, %c0_i32_0 : i32, i32
  }
  func.func @transform_2(%arg0: i32) -> i32 {
    %c0_i32 = arith.constant 0 : i32
    return %arg0 : i32
  }
}

</mosaic_0001>

<sc_bundles>
// kernel: kernel.4.cloned.1.call-start
scs
__scs_entry_jumppad:
0x0: {  	(pc) =	sbr.rel $0x88, $3  }
0x1: {  	(tag) =	ssettag $0x0;
	lr =	simm.s32 $0x1  }
0x2: {  	[smem:$0x3F9F] =	sst lr;
	_ =	strace $0xD0000000  }
0x3: {  	_ = 	snop  }
0x4: {  	_ = 	snop  }
0x5: {  	_ = 	snop  }
0x6: {  	_ = 	snop  }
0x7: {  	_ = 	snop  }
__scs_overlays_trampoline_lowered:
0x8: {  	[smem:$0x3FAE] =	sst s0  }
0x9: {  	[smem:$0x3FAF] =	sst s1  }
0xa: {  	[smem:$0x3FB0] =	sst s2  }
0xb: {  	[smem:$0x3FB1] =	sst s3  }
0xc: {  	[smem:$0x3FB2] =	sst s4  }
0xd: {  	[smem:$0x3FB3] =	sst s5  }
0xe: {  	[smem:$0x3FB4] =	sst s6  }
0xf: {  	[smem:$0x3FB5] =	sst s7  }
0x10: {  	[smem:$0x3FB6] =	sst s8  }
0x11: {  	[smem:$0x3FB7] =	sst s9;
	s0 =	simm.s32 @!p0 $0x0  }
0x12: {  	s1 =	sld [smem:$0x3F9D];
	s0 =	simm.s32 @p0 $0x1  }
0x13: {  	[smem:$0x3FB8] =	sst s0;
	s0 =	simm.s32 @!p1 $0x0  }
0x14: {  	s2 =	sld [smem:$0x3F9C];
	s0 =	simm.s32 @p1 $0x1  }
0x15: {  	[smem:$0x3FB9] =	sst s0;
	s0 =	simm.s32 @!p2 $0x0  }
0x16: {  	s3 =	sld [smem:$0x3FDB];
	s0 =	simm.s32 @p2 $0x1  }
0x17: {  	s4 =	simm.s32 $0x1BF5;
	[smem:$0x3FBB] =	sst s0  }
0x18: {  	s0 =	sld [smem:$0x3F9E];
	_ =	swait.ge [sflag:s4], $0x0  }
0x19: {  	s7 =	sld [smem:$0x3F9F]  }
0x1a: {  	s8 =	sadd.s32 $0xFFFFE003, lr  }
0x1b: {  	s9 =	sadd.s32 $0xFFFFFEF7, lr;
	s5 =	simm.s32 $0xFFFFFFFF;
	p2 =	slt.u32 s8, $0xFFFFF086  }
0x1c: {  	p1 =	slt.u32 s9, $0xF7A;
	s5 =	simm.s32 @!p2 $0x0  }
0x1d: {  	s5 =	simm.s32 @p1 $0x1;
	p0 =	seq.s32 s7, s2  }
0x1e: {  	s7 =	smul.u32 @!p0 $0xF7A, s2;
	p2 =	seq.s32 @!p0 s5, $0x0  }
0x1f: {  	s9 =	smul.u32 $0xF7A, s1;
	s8 =	simm.s32 @!p0 $0x1BF5;
	p2 =	por !p2, p0  }
0x20: {  	[sflag:s8] =	ssyncset.s32 @!p0 $0xFFFFF086;
	s6 =	sadd.s32 @!p0 s3, s7;
	s7 =	simm.s32 @!p0 $0x108  }
0x21: {  	s3 =	sadd.s32 s3, s9;
	s6 =	sadd.s32 @!p0 $0x88, s6;
	s7 =	simm.s32 @p2 $0x1082  }
0x22: {  	[simem:s7], [sflag:s8] =	dma.local @!p0 [hbm:s6], $0xF7A  }
0x23: {  	s9 =	sor.u32 $0xD0000000, s2;
	s6 =	simm.s32 $0x108;
	_ =	swait.ge @!p0 [sflag:s8], $0x0  }
0x24: {  	s3 =	sadd.s32 $0x88, s3;
	s6 =	simm.s32 @!p1 $0x1082;
	[sflag:s4] =	ssyncset.s32 $0xFFFFF086  }
0x25: {  	[simem:s6], [sflag:s4] =	dma.local [hbm:s3], $0xF7A  }
0x26: {  	[smem:$0x3F9F] =	sst s1;
	(tag) =	ssettag s2;
	_ =	strace s9  }
0x27: {  	s1 =	sld [smem:$0x3FAF]  }
0x28: {  	s2 =	sld [smem:$0x3FB0]  }
0x29: {  	s4 =	sld [smem:$0x3FB2]  }
0x2a: {  	p0 =	seq.s32 s5, $0x0;
	s5 =	sld [smem:$0x3FB3]  }
0x2b: {  	s6 =	sld [smem:$0x3FB4]  }
0x2c: {  	s7 =	sld [smem:$0x3FB5]  }
0x2d: {  	s3 =	simm.s32 $0x108;
	s8 =	sld [smem:$0x3FB6]  }
0x2e: {  	s3 =	simm.s32 @!p0 $0x1082;
	s9 =	sld [smem:$0x3FB7]  }
0x2f: {  	lr =	sadd.s32 s0, s3;
	s0 =	sld [smem:$0x3FAE]  }
0x30: {  	s3 =	sld [smem:$0x3FB1]  }
0x31: {  	[smem:$0x3FBA] =	sst s10  }
0x32: {  	s10 =	sld [smem:$0x3FB8];
	_ =	sdelay $0x3  }
0x33: {  	p0 =	seq.s32 s10, $0x1;
	s10 =	sld [smem:$0x3FBA];
	_ =	sdelay $0x3  }
0x34: {  	[smem:$0x3FBA] =	sst s10  }
0x35: {  	s10 =	sld [smem:$0x3FB9];
	_ =	sdelay $0x3  }
0x36: {  	p1 =	seq.s32 s10, $0x1;
	s10 =	sld [smem:$0x3FBA];
	_ =	sdelay $0x3  }
0x37: {  	[smem:$0x3FBA] =	sst s10  }
0x38: {  	s10 =	sld [smem:$0x3FBB]  }
0x39: {  	_ = 	snop;
	(pc) =	sbr.ind lr, $3  }
0x3a: {  	_ = 	snop  }
0x3b: {  	_ = 	snop  }
0x3c: {  	p2 =	seq.s32 s10, $0x1;
	s10 =	sld [smem:$0x3FBA]  }
0x3d: {  	_ =	shalt  }
0x3e: {  	_ =	shalt  }
0x3f: {  	_ =	shalt  }
0x40: {  	_ =	shalt  }
0x41: {  	_ =	shalt  }
0x42: {  	_ =	shalt  }
0x43: {  	_ =	shalt  }
0x44: {  	_ =	shalt  }
0x45: {  	_ =	shalt  }
0x46: {  	_ =	shalt  }
0x47: {  	_ =	shalt  }
0x48: {  	_ =	shalt  }
0x49: {  	_ =	shalt  }
0x4a: {  	_ =	shalt  }
0x4b: {  	_ =	shalt  }
0x4c: {  	_ =	shalt  }
0x4d: {  	_ =	shalt  }
0x4e: {  	_ =	shalt  }
0x4f: {  	_ =	shalt  }
0x50: {  	_ =	shalt  }
0x51: {  	_ =	shalt  }
0x52: {  	_ =	shalt  }
0x53: {  	_ =	shalt  }
0x54: {  	_ =	shalt  }
0x55: {  	_ =	shalt  }
0x56: {  	_ =	shalt  }
0x57: {  	_ =	shalt  }
0x58: {  	_ =	shalt  }
0x59: {  	_ =	shalt  }
0x5a: {  	_ =	shalt  }
0x5b: {  	_ =	shalt  }
0x5c: {  	_ =	shalt  }
0x5d: {  	_ =	shalt  }
0x5e: {  	_ =	shalt  }
0x5f: {  	_ =	shalt  }
0x60: {  	_ =	shalt  }
0x61: {  	_ =	shalt  }
0x62: {  	_ =	shalt  }
0x63: {  	_ =	shalt  }
0x64: {  	_ =	shalt  }
0x65: {  	_ =	shalt  }
0x66: {  	_ =	shalt  }
0x67: {  	_ =	shalt  }
0x68: {  	_ =	shalt  }
0x69: {  	_ =	shalt  }
0x6a: {  	_ =	shalt  }
0x6b: {  	_ =	shalt  }
0x6c: {  	_ =	shalt  }
0x6d: {  	_ =	shalt  }
0x6e: {  	_ =	shalt  }
0x6f: {  	_ =	shalt  }
0x70: {  	_ =	shalt  }
0x71: {  	_ =	shalt  }
0x72: {  	_ =	shalt  }
0x73: {  	_ =	shalt  }
0x74: {  	_ =	shalt  }
0x75: {  	_ =	shalt  }
0x76: {  	_ =	shalt  }
0x77: {  	_ =	shalt  }
0x78: {  	_ =	shalt  }
0x79: {  	_ =	shalt  }
0x7a: {  	_ =	shalt  }
0x7b: {  	_ =	shalt  }
0x7c: {  	_ =	shalt  }
0x7d: {  	_ =	shalt  }
0x7e: {  	_ =	shalt  }
0x7f: {  	_ =	shalt  }
0x80: {  	_ =	shalt  }
0x81: {  	_ =	shalt  }
0x82: {  	_ =	shalt  }
0x83: {  	_ =	shalt  }
0x84: {  	_ =	shalt  }
0x85: {  	_ =	shalt  }
0x86: {  	_ =	shalt  }
0x87: {  	_ =	shalt  }
.Lfunc_end0:
.L_simem_size_0:
called_computation_lowered:
.L_overlay_start_0:
0x88: {  	s2 =	sld [smem:$0x3FD9]  }
0x89: {  	s3 =	sld [smem:$0x3FFE];
	_ =	sdelay $0x1  }
0x8a: {  	s1 =	srdreg.scid  }
0x8b: {  	s0 =	sand.u32 $0x1, s1  }
0x8c: {  	s14 =	sshll.u32 s0, $0xA;
	s2 =	sadd.s32 s3, s2  }
0x8d: {  	s2 =	sadd.s32 s2, s14  }
0x8e: {  	[smem:$0x3FC6] =	sst s2  }
0x8f: {  	_ = 	snop  }
0x90: {  	s2 =	sld [smem:$0x3FD0];
	_ =	sdelay $0x2  }
0x91: {  	s15 =	simm.s32 $0xA;
	s4 =	simm.s32 $0x10  }
0x92: {  	[smem:s4], [sflag:s15] =	dma.local [hbm:s2], $0x1  }
0x93: {  	_ =	swait.eq [sflag:s15], $0x1  }
0x94: {  	[sflag:s15] =	ssyncset.done $0x0  }
0x95: {  	[sflag:s15] =	ssyncadd.s32 $0xFFFFFFFF  }
0x96: {  	s16 =	sld [smem:$0x10];
	(tm) =	ssettm $0x1  }
0x97: {  	s17 =	sld [smem:$0x3FFB];
	_ =	sdelay $0x3  }
0x98: {  	_ =	strace s17  }
0x99: {  	s3 =	sld [smem:$0x3FFC];
	_ =	sdelay $0x3  }
0x9a: {  	_ =	strace s3  }
0x9b: {  	s3 =	sld [smem:$0x3FFD];
	_ =	sdelay $0x3  }
0x9c: {  	_ =	strace s3  }
0x9d: {  	_ =	strace $0x8FFFFFFF  }
0x9e: {  	s18 =	sld [smem:$0x3FDB];
	_ =	sdelay $0x1  }
0x9f: {  	s19 =	simm.s32 $_scs_section_size  }
0xa0: {  	s5 =	simm.s32 $_size__tile_overlayer_lowered;
	s6 =	simm.s32 $_tile_overlayer_lowered  }
0xa1: {  	s22 =	simm.s32 $0x1BFF;
	s21 =	sshll.u32 s6, $0x1;
	s3 =	sadd.s32 s19, s18  }
0xa2: {  	s7 =	simm.s32 $0x0;
	s20 =	sshll.u32 s5, $0x1;
	s5 =	sadd.s32 s21, s3  }
0xa3: {  	[timem:s7], [sflag:s22] =	dma.local [hbm:s5], s20  }
0xa4: {  	_ =	swait.ge [sflag:s22], s20  }
0xa5: {  	s4 =	ssub.s32 $0x0, s20;
	[sflag:s22] =	ssyncset.done $0x0  }
0xa6: {  	[sflag:s22] =	ssyncadd.s32 s4;
	_ =	sdelay $0x1  }
0xa7: {  	s23 =	simm.s32 $0x1B8B  }
0xa8: {  	_ =	swait.ge [sflag:s23], $0x1  }
0xa9: {  	[sflag:s23] =	ssyncset.done $0x0  }
0xaa: {  	s25 =	simm.s32 $0x1B8E;
	s24 =	sld [smem:$0x3FFE];
	[sflag:s23] =	ssyncadd.s32 $0xFFFFFFFF  }
0xab: {  	s26 =	simm.s32 $execute0_lowered;
	[smem:$0x3FD2] =	sst s25  }
0xac: {  	s5 =	sshll.u32 s26, $0x1;
	_ =	strace $0x80000046;
	[dreg:$0x1] =	wrdreg $0xFFFFFFFF  }
0xad: {  	s28 =	simm.s32 $_size_execute0_lowered;
	s3 =	sadd.s32 s3, s5;
	[dreg:$0x0] =	wrdreg $0x0  }
0xae: {  	s5 =	sshll.u32 s28, $0x1;
	[dreg:$0x2] =	wrdreg s3  }
0xaf: {  	[dreg:$0x3] =	wrdreg s5  }
0xb0: {  	[dreg:$0x4] =	wrdreg $0xC0  }
0xb1: {  	_ =	task [dreg:s7], $0x5FFFF  }
0xb2: {  	[dreg:$0x1] =	wrdreg $0xFFFFFFFF  }
0xb3: {  	[dreg:$0x0] =	wrdreg $0x60  }
0xb4: {  	[dreg:$0x2] =	wrdreg s24  }
0xb5: {  	[dreg:$0x3] =	wrdreg s16  }
0xb6: {  	[dreg:$0x4] =	wrdreg $0x9  }
0xb7: {  	_ =	task.clear_ibuf [dreg:s7], $0x5FFFF;
	_ =	strace $0x90000046  }
0xb8: {  	s29 =	simm.s32 $0x9;
	_ =	strace $0x80000048  }
0xb9: {  	_ =	swait.ge [sflag:s29], $0x1  }
0xba: {  	[sflag:s29] =	ssyncadd.s32 $0xFFFFFFFF  }
0xbb: {  	_ =	strace $0x90000048  }
0xbc: {  	_ =	sfence  }
0xbd: {  	s30 =	sld [smem:$0x0];
	_ =	sdelay $0x2  }
0xbe: {  	s31 =	sshll.u32 s1, $0xD;
	s1 =	sshrl.u32 s1, $0x2  }
0xbf: {  	s3 =	sand.u32 $0x4000, s31;
	s1 =	sadd.s32 s1, s30  }
0xc0: {  	s0 =	sor.u32 s3, s0;
	s1 =	sshll.u32 s1, $0x11  }
0xc1: {  	s0 =	sor.u32 s1, s0  }
0xc2: {  	s0 =	sadd.s32 $0x8F2B, s0  }
0xc3: {  	[sflag:s0] =	ssyncadd.remote.s32 $0x1  }
0xc4: {  	_ =	sfence.sel $0xFFFF  }
0xc5: {  	[dreg:$0x0] =	wrdreg $0xFFFFFFFF;
	(pc) =	sbr.abs _section_cstart, $3  }
0xc6: {  	[dreg:$0x1] =	wrdreg $0xFFFFFFFF  }
0xc7: {  	_ =	task.clear_ibuf [dreg:s7], $0x2FFFF;
	_ =	strace $0x9FFFFFFF  }
0xc8: {  	(tm) =	ssettm $0x7FFFFFFF  }
0xc9: {  	_ =	shalt  }
tec
execute0_lowered:
.L_overlay_start_1:
0x0: {  	(tag) =	ssettag $0x1  }
0x1: {  	s1 =	srdreg.scid  }
0x2: {  	s0 =	stileid.u32;
	s21 =	sand.u32 $0x1, s1  }
0x3: {  	s5 =	rddreg [dreg:$0x0];
	s30 =	sshll.u32 s0, $0xB;
	s2 =	sshll.u32 s21, $0xA  }
0x4: {  	s22 =	rddreg [dreg:$0x1];
	s23 =	sor.u32 s2, s30  }
0x5: {  	s1 =	rddreg [dreg:$0x2];
	s2 =	simm.s32 $0x0;
	s3 =	sshrl.u32 s23, $0x3  }
0x6: {  	[smem:$0x7FF] =	sst s2;
	s20 =	sadd.s32 s3, s5  }
0x7: {  	_ =	strace $0x80000047;
	s3 =	simm.s32 $0x2;
	s4 =	sadd.s32 $0x8A00, s20  }
0x8: {  	[tilespmem:s2], [sflag:$0x2] =	stream.linear.gather [hbm4b:s4+s2], $0x80, $0x38;
	[tilespmem:$0x8080] =	vst v63  }
0x9: {  	_ =	swait.ge [sflag:s3], $0x80  }
0xa: {  	s6 =	simm.s32 $0x80;
	[sflag:s3] =	ssyncset.done $0x0  }
0xb: {  	s7 =	simm.s32 $0x1;
	s5 =	sadd.s32 $0xA00, s5;
	[sflag:s3] =	ssyncadd.s32 $0xFFFFFF80  }
0xc: {  	[tilespmem:s6], [sflag:$0x1] =	stream.indirect.gather [hbm4b:s5+s6], $0x20, s2, s6, $0xb8;
	[tilespmem:$0x8080] =	vst v63  }
0xd: {  	_ =	swait.ge [sflag:s7], $0x1000  }
0xe: {  	[sflag:s7] =	ssyncset.done $0x0  }
0xf: {  	s8 =	sadd.s32 $0x8A10, s20;
	[sflag:s7] =	ssyncadd.s32 $0xFFFFF000  }
0x10: {  	[tilespmem:s2], [sflag:$0x2] =	stream.linear.gather [hbm4b:s8+s2], $0x80, $0x38;
	[tilespmem:$0x8080] =	vst v63  }
0x11: {  	_ =	swait.ge [sflag:s3], $0x80  }
0x12: {  	[sflag:s3] =	ssyncset.done $0x0  }
0x13: {  	s9 =	simm.s32 $0x1080;
	[sflag:s3] =	ssyncadd.s32 $0xFFFFFF80  }
0x14: {  	[tilespmem:s9], [sflag:$0x1] =	stream.indirect.gather [hbm4b:s5+s6], $0x20, s2, s6, $0xb8;
	[tilespmem:$0x8080] =	vst v63  }
0x15: {  	_ =	swait.ge [sflag:s7], $0x1000  }
0x16: {  	[sflag:s7] =	ssyncset.done $0x0  }
0x17: {  	s10 =	sadd.s32 $0x8A20, s20;
	[sflag:s7] =	ssyncadd.s32 $0xFFFFF000  }
0x18: {  	[tilespmem:s2], [sflag:$0x2] =	stream.linear.gather [hbm4b:s10+s2], $0x80, $0x38;
	[tilespmem:$0x8080] =	vst v63  }
0x19: {  	_ =	swait.ge [sflag:s3], $0x80  }
0x1a: {  	[sflag:s3] =	ssyncset.done $0x0  }
0x1b: {  	s11 =	simm.s32 $0x2080;
	[sflag:s3] =	ssyncadd.s32 $0xFFFFFF80  }
0x1c: {  	[tilespmem:s11], [sflag:$0x1] =	stream.indirect.gather [hbm4b:s5+s6], $0x20, s2, s6, $0xb8;
	[tilespmem:$0x8080] =	vst v63  }
0x1d: {  	_ =	swait.ge [sflag:s7], $0x1000  }
0x1e: {  	[sflag:s7] =	ssyncset.done $0x0  }
0x1f: {  	s12 =	sadd.s32 $0x8A30, s20;
	[sflag:s7] =	ssyncadd.s32 $0xFFFFF000  }
0x20: {  	[tilespmem:s2], [sflag:$0x2] =	stream.linear.gather [hbm4b:s12+s2], $0x80, $0x38;
	[tilespmem:$0x8080] =	vst v63  }
0x21: {  	_ =	swait.ge [sflag:s3], $0x80  }
0x22: {  	[sflag:s3] =	ssyncset.done $0x0  }
0x23: {  	s13 =	simm.s32 $0x3080;
	[sflag:s3] =	ssyncadd.s32 $0xFFFFFF80  }
0x24: {  	[tilespmem:s13], [sflag:$0x1] =	stream.indirect.gather [hbm4b:s5+s6], $0x20, s2, s6, $0xb8;
	[tilespmem:$0x8080] =	vst v63  }
0x25: {  	_ =	swait.ge [sflag:s7], $0x1000  }
0x26: {  	[sflag:s7] =	ssyncset.done $0x0  }
0x27: {  	s14 =	sadd.s32 $0x8A40, s20;
	[sflag:s7] =	ssyncadd.s32 $0xFFFFF000  }
0x28: {  	[tilespmem:s2], [sflag:$0x2] =	stream.linear.gather [hbm4b:s14+s2], $0x80, $0x38;
	[tilespmem:$0x8080] =	vst v63  }
0x29: {  	_ =	swait.ge [sflag:s3], $0x80  }
0x2a: {  	[sflag:s3] =	ssyncset.done $0x0  }
0x2b: {  	s15 =	simm.s32 $0x4080;
	[sflag:s3] =	ssyncadd.s32 $0xFFFFFF80  }
0x2c: {  	[tilespmem:s15], [sflag:$0x1] =	stream.indirect.gather [hbm4b:s5+s6], $0x20, s2, s6, $0xb8;
	[tilespmem:$0x8080] =	vst v63  }
0x2d: {  	_ =	swait.ge [sflag:s7], $0x1000  }
0x2e: {  	[sflag:s7] =	ssyncset.done $0x0  }
0x2f: {  	s16 =	sadd.s32 $0x8A50, s20;
	[sflag:s7] =	ssyncadd.s32 $0xFFFFF000  }
0x30: {  	[tilespmem:s2], [sflag:$0x2] =	stream.linear.gather [hbm4b:s16+s2], $0x80, $0x38;
	[tilespmem:$0x8080] =	vst v63  }
0x31: {  	_ =	swait.ge [sflag:s3], $0x80  }
0x32: {  	[sflag:s3] =	ssyncset.done $0x0  }
0x33: {  	s17 =	simm.s32 $0x5080;
	[sflag:s3] =	ssyncadd.s32 $0xFFFFFF80  }
0x34: {  	[tilespmem:s17], [sflag:$0x1] =	stream.indirect.gather [hbm4b:s5+s6], $0x20, s2, s6, $0xb8;
	[tilespmem:$0x8080] =	vst v63  }
0x35: {  	_ =	swait.ge [sflag:s7], $0x1000  }
0x36: {  	[sflag:s7] =	ssyncset.done $0x0  }
0x37: {  	s18 =	sadd.s32 $0x8A60, s20;
	[sflag:s7] =	ssyncadd.s32 $0xFFFFF000  }
0x38: {  	[tilespmem:s2], [sflag:$0x2] =	stream.linear.gather [hbm4b:s18+s2], $0x80, $0x38;
	[tilespmem:$0x8080] =	vst v63  }
0x39: {  	_ =	swait.ge [sflag:s3], $0x80  }
0x3a: {  	[sflag:s3] =	ssyncset.done $0x0  }
0x3b: {  	s19 =	simm.s32 $0x6080;
	[sflag:s3] =	ssyncadd.s32 $0xFFFFFF80  }
0x3c: {  	[tilespmem:s19], [sflag:$0x1] =	stream.indirect.gather [hbm4b:s5+s6], $0x20, s2, s6, $0xb8;
	[tilespmem:$0x8080] =	vst v63  }
0x3d: {  	_ =	swait.ge [sflag:s7], $0x1000  }
0x3e: {  	[sflag:s7] =	ssyncset.done $0x0  }
0x3f: {  	s24 =	ssub.s32 $0x2, s21;
	s20 =	sadd.s32 $0x8A70, s20;
	[sflag:s7] =	ssyncadd.s32 $0xFFFFF000  }
0x40: {  	[tilespmem:s2], [sflag:$0x2] =	stream.linear.gather [hbm4b:s20+s2], $0x80, $0x38;
	[tilespmem:$0x8080] =	vst v63  }
0x41: {  	s25 =	sshrl.u32 s24, $0x1;
	_ =	swait.ge [sflag:s3], $0x80  }
0x42: {  	s24 =	ssub.s32 s24, s25;
	[sflag:s3] =	ssyncset.done $0x0  }
0x43: {  	s21 =	simm.s32 $0x7080;
	s31 =	smax.u32 s24, $0x1;
	[sflag:s3] =	ssyncadd.s32 $0xFFFFFF80  }
0x44: {  	[tilespmem:s21], [sflag:$0x1] =	stream.indirect.gather [hbm4b:s5+s6], $0x20, s2, s6, $0xb8;
	[tilespmem:$0x8080] =	vst v63  }
0x45: {  	p0 =	sne.s32 s31, $0x1;
	_ =	swait.ge [sflag:s7], $0x1000  }
.Ltmp0:
0x46: {  	s23 =	sshll.u32 s23, $0x2;
	[sflag:s7] =	ssyncset.done $0x0;
	(pc) =	sbr.rel @!p0 .LBB2_2-.Ltmp0, $4  }
0x47: {  	s22 =	sadd.s32 s22, s23;
	[sflag:s7] =	ssyncadd.s32 $0xFFFFF000  }
0x48: {  	[hbm4b:s22+s2] =	stream.linear.scatter [tilespmem:s6], [sflag:$0x2], $0x8000, $0x38;
	[tilespmem:$0x8080] =	vst v63  }
0x49: {  	_ =	swait.ge [sflag:s3], $0x8000  }
0x4a: {  	s23 =	sadd.s32 $0xFFFFFFFF, s31;
	[sflag:s3] =	ssyncset.done $0x0  }
.LBB2_1:
0x4b: {  	p0 =	sne.s32 s23, $0x1;
	s23 =	sadd.s32 $0xFFFFFFFF, s23;
	[sflag:s3] =	ssyncadd.s32 $0xFFFF8000  }
0x4c: {  	[tilespmem:s2], [sflag:$0x2] =	stream.linear.gather [hbm4b:s4+s2], $0x80, $0x38;
	[tilespmem:$0x8080] =	vst v63  }
0x4d: {  	_ =	swait.ge [sflag:s3], $0x80  }
0x4e: {  	[sflag:s3] =	ssyncset.done $0x0  }
0x4f: {  	[sflag:s3] =	ssyncadd.s32 $0xFFFFFF80  }
0x50: {  	[tilespmem:s6], [sflag:$0x1] =	stream.indirect.gather [hbm4b:s5+s6], $0x20, s2, s6, $0xb8;
	[tilespmem:$0x8080] =	vst v63  }
0x51: {  	_ =	swait.ge [sflag:s7], $0x1000  }
0x52: {  	[sflag:s7] =	ssyncset.done $0x0  }
0x53: {  	[sflag:s7] =	ssyncadd.s32 $0xFFFFF000  }
0x54: {  	[tilespmem:s2], [sflag:$0x2] =	stream.linear.gather [hbm4b:s8+s2], $0x80, $0x38;
	[tilespmem:$0x8080] =	vst v63  }
0x55: {  	_ =	swait.ge [sflag:s3], $0x80  }
0x56: {  	[sflag:s3] =	ssyncset.done $0x0  }
0x57: {  	[sflag:s3] =	ssyncadd.s32 $0xFFFFFF80  }
0x58: {  	[tilespmem:s9], [sflag:$0x1] =	stream.indirect.gather [hbm4b:s5+s6], $0x20, s2, s6, $0xb8;
	[tilespmem:$0x8080] =	vst v63  }
0x59: {  	_ =	swait.ge [sflag:s7], $0x1000  }
0x5a: {  	[sflag:s7] =	ssyncset.done $0x0  }
0x5b: {  	[sflag:s7] =	ssyncadd.s32 $0xFFFFF000  }
0x5c: {  	[tilespmem:s2], [sflag:$0x2] =	stream.linear.gather [hbm4b:s10+s2], $0x80, $0x38;
	[tilespmem:$0x8080] =	vst v63  }
0x5d: {  	_ =	swait.ge [sflag:s3], $0x80  }
0x5e: {  	[sflag:s3] =	ssyncset.done $0x0  }
0x5f: {  	[sflag:s3] =	ssyncadd.s32 $0xFFFFFF80  }
0x60: {  	[tilespmem:s11], [sflag:$0x1] =	stream.indirect.gather [hbm4b:s5+s6], $0x20, s2, s6, $0xb8;
	[tilespmem:$0x8080] =	vst v63  }
0x61: {  	_ =	swait.ge [sflag:s7], $0x1000  }
0x62: {  	[sflag:s7] =	ssyncset.done $0x0  }
0x63: {  	[sflag:s7] =	ssyncadd.s32 $0xFFFFF000  }
0x64: {  	[tilespmem:s2], [sflag:$0x2] =	stream.linear.gather [hbm4b:s12+s2], $0x80, $0x38;
	[tilespmem:$0x8080] =	vst v63  }
0x65: {  	_ =	swait.ge [sflag:s3], $0x80  }
0x66: {  	[sflag:s3] =	ssyncset.done $0x0  }
0x67: {  	[sflag:s3] =	ssyncadd.s32 $0xFFFFFF80  }
0x68: {  	[tilespmem:s13], [sflag:$0x1] =	stream.indirect.gather [hbm4b:s5+s6], $0x20, s2, s6, $0xb8;
	[tilespmem:$0x8080] =	vst v63  }
0x69: {  	_ =	swait.ge [sflag:s7], $0x1000  }
0x6a: {  	[sflag:s7] =	ssyncset.done $0x0  }
0x6b: {  	[sflag:s7] =	ssyncadd.s32 $0xFFFFF000  }
0x6c: {  	[tilespmem:s2], [sflag:$0x2] =	stream.linear.gather [hbm4b:s14+s2], $0x80, $0x38;
	[tilespmem:$0x8080] =	vst v63  }
0x6d: {  	_ =	swait.ge [sflag:s3], $0x80  }
0x6e: {  	[sflag:s3] =	ssyncset.done $0x0  }
0x6f: {  	[sflag:s3] =	ssyncadd.s32 $0xFFFFFF80  }
0x70: {  	[tilespmem:s15], [sflag:$0x1] =	stream.indirect.gather [hbm4b:s5+s6], $0x20, s2, s6, $0xb8;
	[tilespmem:$0x8080] =	vst v63  }
0x71: {  	_ =	swait.ge [sflag:s7], $0x1000  }
0x72: {  	[sflag:s7] =	ssyncset.done $0x0  }
0x73: {  	[sflag:s7] =	ssyncadd.s32 $0xFFFFF000  }
0x74: {  	[tilespmem:s2], [sflag:$0x2] =	stream.linear.gather [hbm4b:s16+s2], $0x80, $0x38;
	[tilespmem:$0x8080] =	vst v63  }
0x75: {  	_ =	swait.ge [sflag:s3], $0x80  }
0x76: {  	[sflag:s3] =	ssyncset.done $0x0  }
0x77: {  	[sflag:s3] =	ssyncadd.s32 $0xFFFFFF80  }
0x78: {  	[tilespmem:s17], [sflag:$0x1] =	stream.indirect.gather [hbm4b:s5+s6], $0x20, s2, s6, $0xb8;
	[tilespmem:$0x8080] =	vst v63  }
0x79: {  	_ =	swait.ge [sflag:s7], $0x1000  }
0x7a: {  	[sflag:s7] =	ssyncset.done $0x0  }
0x7b: {  	[sflag:s7] =	ssyncadd.s32 $0xFFFFF000  }
0x7c: {  	[tilespmem:s2], [sflag:$0x2] =	stream.linear.gather [hbm4b:s18+s2], $0x80, $0x38;
	[tilespmem:$0x8080] =	vst v63  }
0x7d: {  	_ =	swait.ge [sflag:s3], $0x80  }
0x7e: {  	[sflag:s3] =	ssyncset.done $0x0  }
0x7f: {  	[sflag:s3] =	ssyncadd.s32 $0xFFFFFF80  }
0x80: {  	[tilespmem:s19], [sflag:$0x1] =	stream.indirect.gather [hbm4b:s5+s6], $0x20, s2, s6, $0xb8;
	[tilespmem:$0x8080] =	vst v63  }
0x81: {  	_ =	swait.ge [sflag:s7], $0x1000  }
0x82: {  	[sflag:s7] =	ssyncset.done $0x0  }
0x83: {  	[sflag:s7] =	ssyncadd.s32 $0xFFFFF000  }
0x84: {  	[tilespmem:s2], [sflag:$0x2] =	stream.linear.gather [hbm4b:s20+s2], $0x80, $0x38;
	[tilespmem:$0x8080] =	vst v63  }
0x85: {  	_ =	swait.ge [sflag:s3], $0x80  }
0x86: {  	[sflag:s3] =	ssyncset.done $0x0  }
0x87: {  	[sflag:s3] =	ssyncadd.s32 $0xFFFFFF80  }
0x88: {  	[tilespmem:s21], [sflag:$0x1] =	stream.indirect.gather [hbm4b:s5+s6], $0x20, s2, s6, $0xb8;
	[tilespmem:$0x8080] =	vst v63  }
0x89: {  	_ =	swait.ge [sflag:s7], $0x1000  }
.Ltmp1:
0x8a: {  	[sflag:s7] =	ssyncset.done $0x0;
	(pc) =	sbr.rel @p0 .LBB2_1-.Ltmp1, $4  }
0x8b: {  	[sflag:s7] =	ssyncadd.s32 $0xFFFFF000  }
0x8c: {  	[hbm4b:s22+s2] =	stream.linear.scatter [tilespmem:s6], [sflag:$0x2], $0x8000, $0x38;
	[tilespmem:$0x8080] =	vst v63  }
0x8d: {  	_ =	swait.ge [sflag:s3], $0x8000  }
0x8e: {  	[sflag:s3] =	ssyncset.done $0x0  }
.LBB2_2:
0x8f: {  	[sflag:s3] =	ssyncadd.s32 $0xFFFF8000  }
0x90: {  	_ =	sfence.sel $0x180000  }
0x91: {  	[bflag:$0x0] =	sbarrier.arrive $0xFFFF  }
0x92: {  	p0 =	sne.s32 s0, $0x0;
	_ =	strace $0x90000047  }
0x93: {  	s0 =	sadd.s32 @!p0 $0x100000, s1;
	[bflag:$0x2] =	sbarrier.arrive $0xFFFF  }
0x94: {  	[sflag:s0] =	ssyncadd.tile.s32 @!p0 $0x1;
	_ =	shalt  }
.Lfunc_end2:
_tile_overlayer_lowered:
.L_overlay_start_2:
0x95: {  	(tag) =	ssettag $0x2  }
0x96: {  	s0 =	rddreg [dreg:$0x0];
	s2 =	stileid.u32  }
0x97: {  	s1 =	rddreg [dreg:$0x1];
	p0 =	sne.s32 s2, $0x0  }
0x98: {  	s3 =	rddreg [dreg:$0x2];
	[bflag:$0x3] =	sbarrier.arrive $0xFFFF;
	s2 =	simm.s32 @!p0 $0x1C02  }
0x99: {  	[timem:s3], [sflag:s2] =	dma.local @!p0 [hbm:s0], s1  }
0x9a: {  	s0 =	simm.s32 @!p0 $0x2  }
0x9b: {  	_ =	swait.ge @!p0 [sflag:s0], s1  }
0x9c: {  	s1 =	ssub.s32 @!p0 $0x0, s1;
	[sflag:s0] =	ssyncset.done @!p0 $0x0  }
0x9d: {  	[sflag:s0] =	ssyncadd.s32 @!p0 s1  }
0x9e: {  	[bflag:$0x3] =	sbarrier.arrive $0xFFFF  }
0x9f: {  	_ =	shalt  }

</sc_bundles>
